<compile_context>
chip_gen: v7x
topology: tpu7x:2x2x1
jax: 0.10.2.dev20260603
libtpu: 0.0.44.dev20260713+nightly
codegen_flags: <defaults>
</compile_context>

<pallas_src>
import functools

import jax
import jax.numpy as jnp
from jax import lax
from jax.experimental import pallas as pl
from jax.experimental.pallas import tpu as pltpu
from jax.experimental.pallas import tpu_sc as plsc

_TOP_K = 5
_BATCH = 1024
_VOCAB = 100000

_NC = 2
_NS = 16
_NW = _NC * _NS
_BPW = _BATCH // _NW

_BV = 4096
_NVB = (_VOCAB + _BV - 1) // _BV


def _gather_body(predT_hbm, target_hbm, g_hbm, idx_v, rows_v, sem):
    wid = lax.axis_index("s") * _NC + lax.axis_index("c")
    base = wid * _BPW
    pltpu.sync_copy(target_hbm.at[pl.ds(base, _BPW)], idx_v)
    pltpu.async_copy(predT_hbm.at[idx_v], rows_v, sem).wait()
    pltpu.sync_copy(rows_v, g_hbm.at[pl.ds(base, _BPW)])


@functools.cache
def _make_gather():
    return pl.kernel(
        _gather_body,
        out_type=jax.ShapeDtypeStruct((_BATCH, _BATCH), jnp.float32),
        mesh=plsc.VectorSubcoreMesh(
            core_axis_name="c", subcore_axis_name="s",
            num_cores=_NC, num_subcores=_NS,
        ),
        scratch_types=[
            pltpu.VMEM((_BPW,), jnp.int32),
            pltpu.VMEM((_BPW, _BATCH), jnp.float32),
            pltpu.SemaphoreType.DMA,
        ],
    )


def _count_body(g_ref, tgt_ref, predT_ref, out_ref, t_ref, acc_ref):
    vb = pl.program_id(0)

    @pl.when(vb == 0)
    def _extract_t():
        rows = lax.broadcasted_iota(jnp.int32, (_BATCH, _BATCH), 0)
        cols = lax.broadcasted_iota(jnp.int32, (_BATCH, _BATCH), 1)
        t_ref[...] = jnp.sum(
            jnp.where(rows == cols, g_ref[...], 0.0), axis=0, keepdims=True)

    t = t_ref[...]
    tgt = tgt_ref[...]
    _SUB = 1024
    cnt = jnp.zeros((1, _BATCH), jnp.int32)
    for h in range(_BV // _SUB):
        x = predT_ref[h * _SUB:(h + 1) * _SUB, :]
        rows = (vb * _BV + h * _SUB
                + lax.broadcasted_iota(jnp.int32, (_SUB, _BATCH), 0))
        thr = jnp.where(x > t, _VOCAB, jnp.where(x == t, tgt, 0))
        cnt = cnt + jnp.sum((rows < thr).astype(jnp.int32),
                            axis=0, keepdims=True)

    @pl.when(vb == 0)
    def _init():
        acc_ref[...] = cnt

    @pl.when(vb != 0)
    def _accum():
        acc_ref[...] = acc_ref[...] + cnt

    @pl.when(vb == _NVB - 1)
    def _finish():
        correct = (acc_ref[...] < _TOP_K).astype(jnp.float32)
        out_ref[0, 0] = 100.0 * jnp.sum(correct) / jnp.float32(_BATCH)


_count = pl.pallas_call(
    _count_body,
    grid=(_NVB,),
    in_specs=[
        pl.BlockSpec((_BATCH, _BATCH), lambda vb: (0, 0)),
        pl.BlockSpec((1, _BATCH), lambda vb: (0, 0)),
        pl.BlockSpec((_BV, _BATCH), lambda vb: (vb, 0)),
    ],
    out_specs=pl.BlockSpec(memory_space=pltpu.SMEM),
    out_shape=jax.ShapeDtypeStruct((1, 1), jnp.float32),
    scratch_shapes=[pltpu.VMEM((1, _BATCH), jnp.float32),
                    pltpu.VMEM((1, _BATCH), jnp.int32)],
    compiler_params=pltpu.CompilerParams(
        dimension_semantics=(pltpu.ARBITRARY,),
        vmem_limit_bytes=100 * 1024 * 1024,
    ),
)


@jax.jit
def kernel(pred, target):
    target = target.astype(jnp.int32)
    predT = jnp.swapaxes(pred, 0, 1)
    g = _make_gather()(predT, target)
    acc = _count(g, target.reshape(1, _BATCH), predT)
    return acc[0, 0]

# --- scband reference (transcript-rebuilt; emitter-appended) ---
"""Pipeline reference for scband-categorical-accuracy-29025388986666 (READ-ONLY COPY).

The authoritative reference and input builder live on the scoring server;
editing this copy changes nothing except your own understanding.
"""

import jax, jax.numpy as jnp
import numpy as np

TOP_K = 5
BATCH = 1024
VOCAB = 100000

def setup_inputs(seed: int = 0) -> dict:
    key = jax.random.key(seed)
    k1, k2 = jax.random.split(key)
    pred = jax.random.normal(k1, (BATCH, VOCAB), dtype=jnp.float32)
    target = jax.random.randint(k2, (BATCH,), 0, VOCAB, dtype=jnp.int64 if jax.config.jax_enable_x64 else jnp.int32)
    return {"pred": pred, "target": target}

def reference(pred, target):
    # pred.topk(top_k, dim=1)[1] -> indices of top-k along axis 1
    _, top_k_idx = jax.lax.top_k(pred, TOP_K)  # [B, K] int32
    # target.view(B,1).expand_as(top_k) and eq
    true_k = jnp.broadcast_to(target.reshape(-1, 1), top_k_idx.shape)
    correct_count = jnp.sum((top_k_idx == true_k).astype(jnp.float32))
    total_count = pred.shape[0]
    accuracy = 100.0 * correct_count / jnp.float32(total_count)
    return accuracy

if __name__ == "__main__":
    import jax
    _d = setup_inputs()
    print(jax.jit(kernel)(*tuple(_d.values())))

</pallas_src>

<mosaic_0001>
#map = affine_map<(d0, d1) -> (0, 0)>
#map1 = affine_map<(d0, d1) -> (0)>
module attributes {stable_mosaic.version = 14 : i64} {
  func.func @_gather_body(%arg0: i32, %arg1: i32, %arg2: memref<100000x1024xf32, #tpu.memory_space<hbm>>, %arg3: memref<1024xi32, #tpu.memory_space<hbm>>, %arg4: memref<1024x1024xf32, #tpu.memory_space<hbm>>, %arg5: memref<32xi32, #tpu.memory_space<vmem>>, %arg6: memref<32x1024xf32, #tpu.memory_space<vmem>>, %arg7: memref<!tpu.dma_semaphore, #tpu.memory_space<semaphore_mem>>) attributes {dimension_semantics = [#tpu.dimension_semantics<core_parallel>, #tpu.dimension_semantics<subcore_parallel>], iteration_bounds = array<i64: 2, 16>, scalar_prefetch = 0 : i64, scratch_operands = 3 : i64, tpu.core_type = #tpu.core_type<sc_vector_subcore>, window_params = [{transform_indices = #map}, {transform_indices = #map1}, {transform_indices = #map}]} {
    %mul3A = arith.constant 2 : i32
    %mul3A_0 = arith.muli %arg1, %mul3A : i32
    %add3A = arith.addi %mul3A_0, %arg0 : i32
    %mul3A_1 = arith.constant 32 : i32
    %mul3A_2 = arith.muli %add3A, %mul3A_1 : i32
    "tpu.region"() ({
      %run_scoped3A = tpu.sem_alloc : memref<!tpu.dma_semaphore, #tpu.memory_space<semaphore_mem>>
      %dma_start3A_7 = tpu.memref_slice %arg3[%mul3A_2] : memref<1024xi32, #tpu.memory_space<hbm>> -> memref<32xi32, #tpu.memory_space<hbm>>
      %dma_start3A_8 = tpu.memref_slice %arg3[%mul3A_2] : memref<1024xi32, #tpu.memory_space<hbm>> -> memref<32xi32, #tpu.memory_space<hbm>>
      tpu.enqueue_dma source(%dma_start3A_8 : memref<32xi32, #tpu.memory_space<hbm>>) target(%arg5 : memref<32xi32, #tpu.memory_space<vmem>>) target_semaphore(%run_scoped3A : memref<!tpu.dma_semaphore, #tpu.memory_space<semaphore_mem>>)
      %dma_wait3A_9 = tpu.memref_slice %arg3[%mul3A_2] : memref<1024xi32, #tpu.memory_space<hbm>> -> memref<32xi32, #tpu.memory_space<hbm>>
      %dma_wait3A_10 = tpu.memref_slice %arg3[%mul3A_2] : memref<1024xi32, #tpu.memory_space<hbm>> -> memref<32xi32, #tpu.memory_space<hbm>>
      tpu.wait_dma2 semaphore(%run_scoped3A : memref<!tpu.dma_semaphore, #tpu.memory_space<semaphore_mem>>) src(%dma_wait3A_10 : memref<32xi32, #tpu.memory_space<hbm>>) dst(%arg5 : memref<32xi32, #tpu.memory_space<vmem>>)
      tpu.yield
    }) : () -> ()
    %dma_start3A = arith.constant 0 : i32
    %dma_start3A_3 = arith.constant 0 : i32
    %dma_start3A_4 = tpu.memref_slice %arg2[%dma_start3A, %dma_start3A_3] : memref<100000x1024xf32, #tpu.memory_space<hbm>> -> memref<100000x1024xf32, #tpu.memory_space<hbm>>
    tpu.enqueue_indirect_dma source(%dma_start3A_4 : memref<100000x1024xf32, #tpu.memory_space<hbm>>) target(%arg6 : memref<32x1024xf32, #tpu.memory_space<vmem>>) offsets(%arg5 : memref<32xi32, #tpu.memory_space<vmem>>) semaphore(%arg7 : memref<!tpu.dma_semaphore, #tpu.memory_space<semaphore_mem>>)
    %dma_wait3A = arith.constant 0 : i32
    %dma_wait3A_5 = arith.constant 0 : i32
    %dma_wait3A_6 = tpu.memref_slice %arg2[%dma_wait3A, %dma_wait3A_5] : memref<100000x1024xf32, #tpu.memory_space<hbm>> -> memref<100000x1024xf32, #tpu.memory_space<hbm>>
    tpu.wait_indirect_dma semaphore(%arg7 : memref<!tpu.dma_semaphore, #tpu.memory_space<semaphore_mem>>) src(%dma_wait3A_6 : memref<100000x1024xf32, #tpu.memory_space<hbm>>) dst(%arg6 : memref<32x1024xf32, #tpu.memory_space<vmem>>)
    "tpu.region"() ({
      %run_scoped3A = tpu.sem_alloc : memref<!tpu.dma_semaphore, #tpu.memory_space<semaphore_mem>>
      %dma_start3A_7 = arith.constant 0 : i32
      %dma_start3A_8 = tpu.memref_slice %arg4[%mul3A_2, %dma_start3A_7] : memref<1024x1024xf32, #tpu.memory_space<hbm>> -> memref<32x1024xf32, #tpu.memory_space<hbm>>
      %dma_start3A_9 = arith.constant 0 : i32
      %dma_start3A_10 = tpu.memref_slice %arg4[%mul3A_2, %dma_start3A_9] : memref<1024x1024xf32, #tpu.memory_space<hbm>> -> memref<32x1024xf32, #tpu.memory_space<hbm>>
      tpu.enqueue_dma source(%arg6 : memref<32x1024xf32, #tpu.memory_space<vmem>>) target(%dma_start3A_10 : memref<32x1024xf32, #tpu.memory_space<hbm>>) target_semaphore(%run_scoped3A : memref<!tpu.dma_semaphore, #tpu.memory_space<semaphore_mem>>)
      %dma_wait3A_11 = arith.constant 0 : i32
      %dma_wait3A_12 = tpu.memref_slice %arg4[%mul3A_2, %dma_wait3A_11] : memref<1024x1024xf32, #tpu.memory_space<hbm>> -> memref<32x1024xf32, #tpu.memory_space<hbm>>
      %dma_wait3A_13 = arith.constant 0 : i32
      %dma_wait3A_14 = tpu.memref_slice %arg4[%mul3A_2, %dma_wait3A_13] : memref<1024x1024xf32, #tpu.memory_space<hbm>> -> memref<32x1024xf32, #tpu.memory_space<hbm>>
      tpu.wait_dma2 semaphore(%run_scoped3A : memref<!tpu.dma_semaphore, #tpu.memory_space<semaphore_mem>>) src(%arg6 : memref<32x1024xf32, #tpu.memory_space<vmem>>) dst(%dma_wait3A_14 : memref<32x1024xf32, #tpu.memory_space<hbm>>)
      tpu.yield
    }) : () -> ()
    return
  }
}

module attributes {stable_mosaic.version = 14 : i64} {
  func.func @_count_body(%arg0: i32, %arg1: memref<1024x1024xf32, #tpu.memory_space<vmem>>, %arg2: memref<1x1024xi32, #tpu.memory_space<vmem>>, %arg3: memref<4096x1024xf32, #tpu.memory_space<vmem>>, %arg4: memref<1x1xf32, #tpu.memory_space<smem>>, %arg5: memref<1x1024xf32, #tpu.memory_space<vmem>>, %arg6: memref<1x1024xi32, #tpu.memory_space<vmem>>) attributes {dimension_semantics = [#tpu.dimension_semantics<arbitrary>], iteration_bounds = array<i64: 25>, scalar_prefetch = 0 : i64, scratch_operands = 2 : i64, tpu.core_type = #tpu.core_type<tc>, window_params = [{pipeline_mode = #tpu.pipeline_mode<synchronous>, transform_indices = @transform_0, window_bounds = array<i64: 1024, 1024>}, {pipeline_mode = #tpu.pipeline_mode<synchronous>, transform_indices = @transform_1, window_bounds = array<i64: 1, 1024>}, {transform_indices = @transform_2, window_bounds = array<i64: 4096, 1024>}, {transform_indices = @transform_3, window_bounds = array<i64: 1, 1>}]} {
    %eq3A = arith.constant 0 : i32
    %eq3A_0 = arith.cmpi eq, %arg0, %eq3A : i32
    %convert_element_type3A = arith.extui %eq3A_0 : i1 to i32
    %cond3A = arith.constant 0 : i32
    %cond3A_1 = arith.cmpi ne, %convert_element_type3A, %cond3A : i32
    scf.if %cond3A_1 {
      %iota3A_126 = tpu.iota {dimensions = array<i32: 0>} : vector<1024x1024xi32>
      %iota3A_127 = tpu.iota {dimensions = array<i32: 1>} : vector<1024x1024xi32>
      %eq3A_128 = arith.cmpi eq, %iota3A_126, %iota3A_127 : vector<1024x1024xi32>
      %get3A_129 = arith.constant 0 : index
      %get3A_130 = arith.constant 0 : index
      %get3A_131 = vector.load %arg1[%get3A_129, %get3A_130] : memref<1024x1024xf32, #tpu.memory_space<vmem>>, vector<1024x1024xf32>
      %jit3A_132 = arith.constant 0.000000e+00 : f32
      %broadcast_in_dim3A_133 = vector.broadcast %jit3A_132 : f32 to vector<1024x1024xf32>
      %select_n3A_134 = arith.select %eq3A_128, %get3A_131, %broadcast_in_dim3A_133 : vector<1024x1024xi1>, vector<1024x1024xf32>
      %reduce_sum3A_135 = arith.constant dense<0.000000e+00> : vector<1024xf32>
      %reduce_sum3A_136 = vector.multi_reduction <add>, %select_n3A_134, %reduce_sum3A_135 [0] : vector<1024x1024xf32> to vector<1024xf32>
      %broadcast_in_dim3A_137 = vector.shape_cast %reduce_sum3A_136 : vector<1024xf32> to vector<1x1024xf32>
      %swap3A = arith.constant 0 : index
      %swap3A_138 = arith.constant 0 : index
      %swap3A_139 = vector.load %arg5[%swap3A, %swap3A_138] : memref<1x1024xf32, #tpu.memory_space<vmem>>, vector<1x1024xf32>
      tpu.vector_store %arg5[%swap3A, %swap3A_138], %broadcast_in_dim3A_137 {strides = array<i32>} : memref<1x1024xf32, #tpu.memory_space<vmem>>, vector<1x1024xf32>,
    } else {
    }
    %get3A = arith.constant 0 : index
    %get3A_2 = arith.constant 0 : index
    %get3A_3 = vector.load %arg5[%get3A, %get3A_2] : memref<1x1024xf32, #tpu.memory_space<vmem>>, vector<1x1024xf32>
    %get3A_4 = arith.constant 0 : index
    %get3A_5 = arith.constant 0 : index
    %get3A_6 = vector.load %arg2[%get3A_4, %get3A_5] : memref<1x1024xi32, #tpu.memory_space<vmem>>, vector<1x1024xi32>
    %broadcast_in_dim3A = arith.constant 0 : i32
    %broadcast_in_dim3A_7 = vector.broadcast %broadcast_in_dim3A : i32 to vector<1x1024xi32>
    %get3A_8 = arith.constant 0 : index
    %get3A_9 = arith.constant 0 : index
    %get3A_10 = vector.load %arg3[%get3A_8, %get3A_9] : memref<4096x1024xf32, #tpu.memory_space<vmem>>, vector<1024x1024xf32>
    %mul3A = arith.constant 4096 : i32
    %mul3A_11 = arith.muli %arg0, %mul3A : i32
    %add3A = arith.constant 0 : i32
    %add3A_12 = arith.addi %mul3A_11, %add3A : i32
    %iota3A = tpu.iota {dimensions = array<i32: 0>} : vector<1024x1024xi32>
    %add3A_13 = vector.broadcast %add3A_12 : i32 to vector<1024x1024xi32>
    %add3A_14 = arith.addi %add3A_13, %iota3A : vector<1024x1024xi32>
    %gt3A = vector.broadcast %get3A_3 : vector<1x1024xf32> to vector<1024x1024xf32>
    %gt3A_15 = arith.cmpf ogt, %get3A_10, %gt3A : vector<1024x1024xf32>
    %eq3A_16 = vector.broadcast %get3A_3 : vector<1x1024xf32> to vector<1024x1024xf32>
    %eq3A_17 = arith.cmpf oeq, %get3A_10, %eq3A_16 : vector<1024x1024xf32>
    %jit3A = arith.constant 0 : i32
    %broadcast_in_dim3A_18 = vector.shape_cast %get3A_6 : vector<1x1024xi32> to vector<1x1024xi32>
    %broadcast_in_dim3A_19 = vector.broadcast %broadcast_in_dim3A_18 : vector<1x1024xi32> to vector<1024x1024xi32>
    %broadcast_in_dim3A_20 = vector.broadcast %jit3A : i32 to vector<1024x1024xi32>
    %select_n3A = arith.select %eq3A_17, %broadcast_in_dim3A_19, %broadcast_in_dim3A_20 : vector<1024x1024xi1>, vector<1024x1024xi32>
    %jit3A_21 = arith.constant 100000 : i32
    %broadcast_in_dim3A_22 = vector.broadcast %jit3A_21 : i32 to vector<1024x1024xi32>
    %select_n3A_23 = arith.select %gt3A_15, %broadcast_in_dim3A_22, %select_n3A : vector<1024x1024xi1>, vector<1024x1024xi32>
    %lt3A = arith.cmpi slt, %add3A_14, %select_n3A_23 : vector<1024x1024xi32>
    %convert_element_type3A_24 = arith.extui %lt3A : vector<1024x1024xi1> to vector<1024x1024xi32>
    %reduce_sum3A = arith.constant dense<0> : vector<1024xi32>
    %reduce_sum3A_25 = vector.multi_reduction <add>, %convert_element_type3A_24, %reduce_sum3A [0] : vector<1024x1024xi32> to vector<1024xi32>
    %broadcast_in_dim3A_26 = vector.shape_cast %reduce_sum3A_25 : vector<1024xi32> to vector<1x1024xi32>
    %add3A_27 = arith.addi %broadcast_in_dim3A_7, %broadcast_in_dim3A_26 : vector<1x1024xi32>
    %get3A_28 = arith.constant 1024 : index
    %get3A_29 = arith.constant 0 : index
    %get3A_30 = vector.load %arg3[%get3A_28, %get3A_29] : memref<4096x1024xf32, #tpu.memory_space<vmem>>, vector<1024x1024xf32>
    %mul3A_31 = arith.constant 4096 : i32
    %mul3A_32 = arith.muli %arg0, %mul3A_31 : i32
    %add3A_33 = arith.constant 1024 : i32
    %add3A_34 = arith.addi %mul3A_32, %add3A_33 : i32
    %iota3A_35 = tpu.iota {dimensions = array<i32: 0>} : vector<1024x1024xi32>
    %add3A_36 = vector.broadcast %add3A_34 : i32 to vector<1024x1024xi32>
    %add3A_37 = arith.addi %add3A_36, %iota3A_35 : vector<1024x1024xi32>
    %gt3A_38 = vector.broadcast %get3A_3 : vector<1x1024xf32> to vector<1024x1024xf32>
    %gt3A_39 = arith.cmpf ogt, %get3A_30, %gt3A_38 : vector<1024x1024xf32>
    %eq3A_40 = vector.broadcast %get3A_3 : vector<1x1024xf32> to vector<1024x1024xf32>
    %eq3A_41 = arith.cmpf oeq, %get3A_30, %eq3A_40 : vector<1024x1024xf32>
    %jit3A_42 = arith.constant 0 : i32
    %broadcast_in_dim3A_43 = vector.shape_cast %get3A_6 : vector<1x1024xi32> to vector<1x1024xi32>
    %broadcast_in_dim3A_44 = vector.broadcast %broadcast_in_dim3A_43 : vector<1x1024xi32> to vector<1024x1024xi32>
    %broadcast_in_dim3A_45 = vector.broadcast %jit3A_42 : i32 to vector<1024x1024xi32>
    %select_n3A_46 = arith.select %eq3A_41, %broadcast_in_dim3A_44, %broadcast_in_dim3A_45 : vector<1024x1024xi1>, vector<1024x1024xi32>
    %jit3A_47 = arith.constant 100000 : i32
    %broadcast_in_dim3A_48 = vector.broadcast %jit3A_47 : i32 to vector<1024x1024xi32>
    %select_n3A_49 = arith.select %gt3A_39, %broadcast_in_dim3A_48, %select_n3A_46 : vector<1024x1024xi1>, vector<1024x1024xi32>
    %lt3A_50 = arith.cmpi slt, %add3A_37, %select_n3A_49 : vector<1024x1024xi32>
    %convert_element_type3A_51 = arith.extui %lt3A_50 : vector<1024x1024xi1> to vector<1024x1024xi32>
    %reduce_sum3A_52 = arith.constant dense<0> : vector<1024xi32>
    %reduce_sum3A_53 = vector.multi_reduction <add>, %convert_element_type3A_51, %reduce_sum3A_52 [0] : vector<1024x1024xi32> to vector<1024xi32>
    %broadcast_in_dim3A_54 = vector.shape_cast %reduce_sum3A_53 : vector<1024xi32> to vector<1x1024xi32>
    %add3A_55 = arith.addi %add3A_27, %broadcast_in_dim3A_54 : vector<1x1024xi32>
    %get3A_56 = arith.constant 2048 : index
    %get3A_57 = arith.constant 0 : index
    %get3A_58 = vector.load %arg3[%get3A_56, %get3A_57] : memref<4096x1024xf32, #tpu.memory_space<vmem>>, vector<1024x1024xf32>
    %mul3A_59 = arith.constant 4096 : i32
    %mul3A_60 = arith.muli %arg0, %mul3A_59 : i32
    %add3A_61 = arith.constant 2048 : i32
    %add3A_62 = arith.addi %mul3A_60, %add3A_61 : i32
    %iota3A_63 = tpu.iota {dimensions = array<i32: 0>} : vector<1024x1024xi32>
    %add3A_64 = vector.broadcast %add3A_62 : i32 to vector<1024x1024xi32>
    %add3A_65 = arith.addi %add3A_64, %iota3A_63 : vector<1024x1024xi32>
    %gt3A_66 = vector.broadcast %get3A_3 : vector<1x1024xf32> to vector<1024x1024xf32>
    %gt3A_67 = arith.cmpf ogt, %get3A_58, %gt3A_66 : vector<1024x1024xf32>
    %eq3A_68 = vector.broadcast %get3A_3 : vector<1x1024xf32> to vector<1024x1024xf32>
    %eq3A_69 = arith.cmpf oeq, %get3A_58, %eq3A_68 : vector<1024x1024xf32>
    %jit3A_70 = arith.constant 0 : i32
    %broadcast_in_dim3A_71 = vector.shape_cast %get3A_6 : vector<1x1024xi32> to vector<1x1024xi32>
    %broadcast_in_dim3A_72 = vector.broadcast %broadcast_in_dim3A_71 : vector<1x1024xi32> to vector<1024x1024xi32>
    %broadcast_in_dim3A_73 = vector.broadcast %jit3A_70 : i32 to vector<1024x1024xi32>
    %select_n3A_74 = arith.select %eq3A_69, %broadcast_in_dim3A_72, %broadcast_in_dim3A_73 : vector<1024x1024xi1>, vector<1024x1024xi32>
    %jit3A_75 = arith.constant 100000 : i32
    %broadcast_in_dim3A_76 = vector.broadcast %jit3A_75 : i32 to vector<1024x1024xi32>
    %select_n3A_77 = arith.select %gt3A_67, %broadcast_in_dim3A_76, %select_n3A_74 : vector<1024x1024xi1>, vector<1024x1024xi32>
    %lt3A_78 = arith.cmpi slt, %add3A_65, %select_n3A_77 : vector<1024x1024xi32>
    %convert_element_type3A_79 = arith.extui %lt3A_78 : vector<1024x1024xi1> to vector<1024x1024xi32>
    %reduce_sum3A_80 = arith.constant dense<0> : vector<1024xi32>
    %reduce_sum3A_81 = vector.multi_reduction <add>, %convert_element_type3A_79, %reduce_sum3A_80 [0] : vector<1024x1024xi32> to vector<1024xi32>
    %broadcast_in_dim3A_82 = vector.shape_cast %reduce_sum3A_81 : vector<1024xi32> to vector<1x1024xi32>
    %add3A_83 = arith.addi %add3A_55, %broadcast_in_dim3A_82 : vector<1x1024xi32>
    %get3A_84 = arith.constant 3072 : index
    %get3A_85 = arith.constant 0 : index
    %get3A_86 = vector.load %arg3[%get3A_84, %get3A_85] : memref<4096x1024xf32, #tpu.memory_space<vmem>>, vector<1024x1024xf32>
    %mul3A_87 = arith.constant 4096 : i32
    %mul3A_88 = arith.muli %arg0, %mul3A_87 : i32
    %add3A_89 = arith.constant 3072 : i32
    %add3A_90 = arith.addi %mul3A_88, %add3A_89 : i32
    %iota3A_91 = tpu.iota {dimensions = array<i32: 0>} : vector<1024x1024xi32>
    %add3A_92 = vector.broadcast %add3A_90 : i32 to vector<1024x1024xi32>
    %add3A_93 = arith.addi %add3A_92, %iota3A_91 : vector<1024x1024xi32>
    %gt3A_94 = vector.broadcast %get3A_3 : vector<1x1024xf32> to vector<1024x1024xf32>
    %gt3A_95 = arith.cmpf ogt, %get3A_86, %gt3A_94 : vector<1024x1024xf32>
    %eq3A_96 = vector.broadcast %get3A_3 : vector<1x1024xf32> to vector<1024x1024xf32>
    %eq3A_97 = arith.cmpf oeq, %get3A_86, %eq3A_96 : vector<1024x1024xf32>
    %jit3A_98 = arith.constant 0 : i32
    %broadcast_in_dim3A_99 = vector.shape_cast %get3A_6 : vector<1x1024xi32> to vector<1x1024xi32>
    %broadcast_in_dim3A_100 = vector.broadcast %broadcast_in_dim3A_99 : vector<1x1024xi32> to vector<1024x1024xi32>
    %broadcast_in_dim3A_101 = vector.broadcast %jit3A_98 : i32 to vector<1024x1024xi32>
    %select_n3A_102 = arith.select %eq3A_97, %broadcast_in_dim3A_100, %broadcast_in_dim3A_101 : vector<1024x1024xi1>, vector<1024x1024xi32>
    %jit3A_103 = arith.constant 100000 : i32
    %broadcast_in_dim3A_104 = vector.broadcast %jit3A_103 : i32 to vector<1024x1024xi32>
    %select_n3A_105 = arith.select %gt3A_95, %broadcast_in_dim3A_104, %select_n3A_102 : vector<1024x1024xi1>, vector<1024x1024xi32>
    %lt3A_106 = arith.cmpi slt, %add3A_93, %select_n3A_105 : vector<1024x1024xi32>
    %convert_element_type3A_107 = arith.extui %lt3A_106 : vector<1024x1024xi1> to vector<1024x1024xi32>
    %reduce_sum3A_108 = arith.constant dense<0> : vector<1024xi32>
    %reduce_sum3A_109 = vector.multi_reduction <add>, %convert_element_type3A_107, %reduce_sum3A_108 [0] : vector<1024x1024xi32> to vector<1024xi32>
    %broadcast_in_dim3A_110 = vector.shape_cast %reduce_sum3A_109 : vector<1024xi32> to vector<1x1024xi32>
    %add3A_111 = arith.addi %add3A_83, %broadcast_in_dim3A_110 : vector<1x1024xi32>
    %eq3A_112 = arith.constant 0 : i32
    %eq3A_113 = arith.cmpi eq, %arg0, %eq3A_112 : i32
    %convert_element_type3A_114 = arith.extui %eq3A_113 : i1 to i32
    %cond3A_115 = arith.constant 0 : i32
    %cond3A_116 = arith.cmpi ne, %convert_element_type3A_114, %cond3A_115 : i32
    scf.if %cond3A_116 {
      %swap3A = arith.constant 0 : index
      %swap3A_126 = arith.constant 0 : index
      %swap3A_127 = vector.load %arg6[%swap3A, %swap3A_126] : memref<1x1024xi32, #tpu.memory_space<vmem>>, vector<1x1024xi32>
      tpu.vector_store %arg6[%swap3A, %swap3A_126], %add3A_111 {strides = array<i32>} : memref<1x1024xi32, #tpu.memory_space<vmem>>, vector<1x1024xi32>,
    } else {
    }
    %ne3A = arith.constant 0 : i32
    %ne3A_117 = arith.cmpi ne, %arg0, %ne3A : i32
    %convert_element_type3A_118 = arith.extui %ne3A_117 : i1 to i32
    %cond3A_119 = arith.constant 0 : i32
    %cond3A_120 = arith.cmpi ne, %convert_element_type3A_118, %cond3A_119 : i32
    scf.if %cond3A_120 {
      %get3A_126 = arith.constant 0 : index
      %get3A_127 = arith.constant 0 : index
      %get3A_128 = vector.load %arg6[%get3A_126, %get3A_127] : memref<1x1024xi32, #tpu.memory_space<vmem>>, vector<1x1024xi32>
      %add3A_129 = arith.addi %get3A_128, %add3A_111 : vector<1x1024xi32>
      %swap3A = arith.constant 0 : index
      %swap3A_130 = arith.constant 0 : index
      %swap3A_131 = vector.load %arg6[%swap3A, %swap3A_130] : memref<1x1024xi32, #tpu.memory_space<vmem>>, vector<1x1024xi32>
      tpu.vector_store %arg6[%swap3A, %swap3A_130], %add3A_129 {strides = array<i32>} : memref<1x1024xi32, #tpu.memory_space<vmem>>, vector<1x1024xi32>,
    } else {
    }
    %eq3A_121 = arith.constant 24 : i32
    %eq3A_122 = arith.cmpi eq, %arg0, %eq3A_121 : i32
    %convert_element_type3A_123 = arith.extui %eq3A_122 : i1 to i32
    %cond3A_124 = arith.constant 0 : i32
    %cond3A_125 = arith.cmpi ne, %convert_element_type3A_123, %cond3A_124 : i32
    scf.if %cond3A_125 {
      %get3A_126 = arith.constant 0 : index
      %get3A_127 = arith.constant 0 : index
      %get3A_128 = vector.load %arg6[%get3A_126, %get3A_127] : memref<1x1024xi32, #tpu.memory_space<vmem>>, vector<1x1024xi32>
      %lt3A_129 = arith.constant 5 : i32
      %lt3A_130 = vector.broadcast %lt3A_129 : i32 to vector<1x1024xi32>
      %lt3A_131 = arith.cmpi slt, %get3A_128, %lt3A_130 : vector<1x1024xi32>
      %convert_element_type3A_132 = arith.extui %lt3A_131 : vector<1x1024xi1> to vector<1x1024xi32>
      %convert_element_type3A_133 = arith.sitofp %convert_element_type3A_132 : vector<1x1024xi32> to vector<1x1024xf32>
      %reduce_sum3A_134 = vector.shape_cast %convert_element_type3A_133 : vector<1x1024xf32> to vector<1x1x1024xf32>
      %reduce_sum3A_135 = arith.constant dense<0.000000e+00> : vector<1xf32>
      %reduce_sum3A_136 = vector.multi_reduction <add>, %reduce_sum3A_134, %reduce_sum3A_135 [1, 2] : vector<1x1x1024xf32> to vector<1xf32>
      %reduce_sum3A_137 = vector.shape_cast %reduce_sum3A_136 : vector<1xf32> to vector<1x1x1xf32>
      %reduce_sum3A_138 = vector.extract %reduce_sum3A_137[0, 0, 0] : f32 from vector<1x1x1xf32>
      %mul3A_139 = arith.constant 1.000000e+02 : f32
      %mul3A_140 = arith.mulf %mul3A_139, %reduce_sum3A_138 : f32
      %div3A = arith.constant 1.024000e+03 : f32
      %div3A_141 = arith.divf %mul3A_140, %div3A : f32
      %swap3A = arith.constant 0 : index
      %swap3A_142 = arith.constant 0 : index
      %swap3A_143 = memref.load %arg4[%swap3A, %swap3A_142] : memref<1x1xf32, #tpu.memory_space<smem>>
      memref.store %div3A_141, %arg4[%swap3A, %swap3A_142] : memref<1x1xf32, #tpu.memory_space<smem>>
    } else {
    }
    return
  }
  func.func @transform_0(%arg0: i32) -> (i32, i32) {
    %c0_i32 = arith.constant 0 : i32
    %c0_i32_0 = arith.constant 0 : i32
    %c0_i32_1 = arith.constant 0 : i32
    return %c0_i32, %c0_i32_0 : i32, i32
  }
  func.func @transform_1(%arg0: i32) -> (i32, i32) {
    %c0_i32 = arith.constant 0 : i32
    %c0_i32_0 = arith.constant 0 : i32
    %c0_i32_1 = arith.constant 0 : i32
    return %c0_i32, %c0_i32_0 : i32, i32
  }
  func.func @transform_2(%arg0: i32) -> (i32, i32) {
    %c0_i32 = arith.constant 0 : i32
    %c0_i32_0 = arith.constant 0 : i32
    return %arg0, %c0_i32 : i32, i32
  }
  func.func @transform_3(%arg0: i32) -> (i32, i32) {
    %c0_i32 = arith.constant 0 : i32
    %c0_i32_0 = arith.constant 0 : i32
    %c0_i32_1 = arith.constant 0 : i32
    return %c0_i32, %c0_i32_0 : i32, i32
  }
}

</mosaic_0001>

<sc_bundles>
// kernel: kernel.4.cloned.1.call-start
scs
__scs_entry_jumppad:
0x0: {  	(pc) =	sbr.rel $0x88, $3  }
0x1: {  	(tag) =	ssettag $0x0;
	lr =	simm.s32 $0x1  }
0x2: {  	[smem:$0x3F9F] =	sst lr;
	_ =	strace $0xD0000000  }
0x3: {  	_ = 	snop  }
0x4: {  	_ = 	snop  }
0x5: {  	_ = 	snop  }
0x6: {  	_ = 	snop  }
0x7: {  	_ = 	snop  }
__scs_overlays_trampoline_lowered:
0x8: {  	[smem:$0x3FAE] =	sst s0  }
0x9: {  	[smem:$0x3FAF] =	sst s1  }
0xa: {  	[smem:$0x3FB0] =	sst s2  }
0xb: {  	[smem:$0x3FB1] =	sst s3  }
0xc: {  	[smem:$0x3FB2] =	sst s4  }
0xd: {  	[smem:$0x3FB3] =	sst s5  }
0xe: {  	[smem:$0x3FB4] =	sst s6  }
0xf: {  	[smem:$0x3FB5] =	sst s7  }
0x10: {  	[smem:$0x3FB6] =	sst s8  }
0x11: {  	[smem:$0x3FB7] =	sst s9;
	s0 =	simm.s32 @!p0 $0x0  }
0x12: {  	s1 =	sld [smem:$0x3F9D];
	s0 =	simm.s32 @p0 $0x1  }
0x13: {  	[smem:$0x3FB8] =	sst s0;
	s0 =	simm.s32 @!p1 $0x0  }
0x14: {  	s2 =	sld [smem:$0x3F9C];
	s0 =	simm.s32 @p1 $0x1  }
0x15: {  	[smem:$0x3FB9] =	sst s0;
	s0 =	simm.s32 @!p2 $0x0  }
0x16: {  	s3 =	sld [smem:$0x3FDB];
	s0 =	simm.s32 @p2 $0x1  }
0x17: {  	s4 =	simm.s32 $0x1BF5;
	[smem:$0x3FBB] =	sst s0  }
0x18: {  	s0 =	sld [smem:$0x3F9E];
	_ =	swait.ge [sflag:s4], $0x0  }
0x19: {  	s7 =	sld [smem:$0x3F9F]  }
0x1a: {  	s8 =	sadd.s32 $0xFFFFE003, lr  }
0x1b: {  	s9 =	sadd.s32 $0xFFFFFEF7, lr;
	s5 =	simm.s32 $0xFFFFFFFF;
	p2 =	slt.u32 s8, $0xFFFFF086  }
0x1c: {  	p1 =	slt.u32 s9, $0xF7A;
	s5 =	simm.s32 @!p2 $0x0  }
0x1d: {  	s5 =	simm.s32 @p1 $0x1;
	p0 =	seq.s32 s7, s2  }
0x1e: {  	s7 =	smul.u32 @!p0 $0xF7A, s2;
	p2 =	seq.s32 @!p0 s5, $0x0  }
0x1f: {  	s9 =	smul.u32 $0xF7A, s1;
	s8 =	simm.s32 @!p0 $0x1BF5;
	p2 =	por !p2, p0  }
0x20: {  	[sflag:s8] =	ssyncset.s32 @!p0 $0xFFFFF086;
	s6 =	sadd.s32 @!p0 s3, s7;
	s7 =	simm.s32 @!p0 $0x108  }
0x21: {  	s3 =	sadd.s32 s3, s9;
	s6 =	sadd.s32 @!p0 $0x88, s6;
	s7 =	simm.s32 @p2 $0x1082  }
0x22: {  	[simem:s7], [sflag:s8] =	dma.local @!p0 [hbm:s6], $0xF7A  }
0x23: {  	s9 =	sor.u32 $0xD0000000, s2;
	s6 =	simm.s32 $0x108;
	_ =	swait.ge @!p0 [sflag:s8], $0x0  }
0x24: {  	s3 =	sadd.s32 $0x88, s3;
	s6 =	simm.s32 @!p1 $0x1082;
	[sflag:s4] =	ssyncset.s32 $0xFFFFF086  }
0x25: {  	[simem:s6], [sflag:s4] =	dma.local [hbm:s3], $0xF7A  }
0x26: {  	[smem:$0x3F9F] =	sst s1;
	(tag) =	ssettag s2;
	_ =	strace s9  }
0x27: {  	s1 =	sld [smem:$0x3FAF]  }
0x28: {  	s2 =	sld [smem:$0x3FB0]  }
0x29: {  	s4 =	sld [smem:$0x3FB2]  }
0x2a: {  	p0 =	seq.s32 s5, $0x0;
	s5 =	sld [smem:$0x3FB3]  }
0x2b: {  	s6 =	sld [smem:$0x3FB4]  }
0x2c: {  	s7 =	sld [smem:$0x3FB5]  }
0x2d: {  	s3 =	simm.s32 $0x108;
	s8 =	sld [smem:$0x3FB6]  }
0x2e: {  	s3 =	simm.s32 @!p0 $0x1082;
	s9 =	sld [smem:$0x3FB7]  }
0x2f: {  	lr =	sadd.s32 s0, s3;
	s0 =	sld [smem:$0x3FAE]  }
0x30: {  	s3 =	sld [smem:$0x3FB1]  }
0x31: {  	[smem:$0x3FBA] =	sst s10  }
0x32: {  	s10 =	sld [smem:$0x3FB8];
	_ =	sdelay $0x3  }
0x33: {  	p0 =	seq.s32 s10, $0x1;
	s10 =	sld [smem:$0x3FBA];
	_ =	sdelay $0x3  }
0x34: {  	[smem:$0x3FBA] =	sst s10  }
0x35: {  	s10 =	sld [smem:$0x3FB9];
	_ =	sdelay $0x3  }
0x36: {  	p1 =	seq.s32 s10, $0x1;
	s10 =	sld [smem:$0x3FBA];
	_ =	sdelay $0x3  }
0x37: {  	[smem:$0x3FBA] =	sst s10  }
0x38: {  	s10 =	sld [smem:$0x3FBB]  }
0x39: {  	_ = 	snop;
	(pc) =	sbr.ind lr, $3  }
0x3a: {  	_ = 	snop  }
0x3b: {  	_ = 	snop  }
0x3c: {  	p2 =	seq.s32 s10, $0x1;
	s10 =	sld [smem:$0x3FBA]  }
0x3d: {  	_ =	shalt  }
0x3e: {  	_ =	shalt  }
0x3f: {  	_ =	shalt  }
0x40: {  	_ =	shalt  }
0x41: {  	_ =	shalt  }
0x42: {  	_ =	shalt  }
0x43: {  	_ =	shalt  }
0x44: {  	_ =	shalt  }
0x45: {  	_ =	shalt  }
0x46: {  	_ =	shalt  }
0x47: {  	_ =	shalt  }
0x48: {  	_ =	shalt  }
0x49: {  	_ =	shalt  }
0x4a: {  	_ =	shalt  }
0x4b: {  	_ =	shalt  }
0x4c: {  	_ =	shalt  }
0x4d: {  	_ =	shalt  }
0x4e: {  	_ =	shalt  }
0x4f: {  	_ =	shalt  }
0x50: {  	_ =	shalt  }
0x51: {  	_ =	shalt  }
0x52: {  	_ =	shalt  }
0x53: {  	_ =	shalt  }
0x54: {  	_ =	shalt  }
0x55: {  	_ =	shalt  }
0x56: {  	_ =	shalt  }
0x57: {  	_ =	shalt  }
0x58: {  	_ =	shalt  }
0x59: {  	_ =	shalt  }
0x5a: {  	_ =	shalt  }
0x5b: {  	_ =	shalt  }
0x5c: {  	_ =	shalt  }
0x5d: {  	_ =	shalt  }
0x5e: {  	_ =	shalt  }
0x5f: {  	_ =	shalt  }
0x60: {  	_ =	shalt  }
0x61: {  	_ =	shalt  }
0x62: {  	_ =	shalt  }
0x63: {  	_ =	shalt  }
0x64: {  	_ =	shalt  }
0x65: {  	_ =	shalt  }
0x66: {  	_ =	shalt  }
0x67: {  	_ =	shalt  }
0x68: {  	_ =	shalt  }
0x69: {  	_ =	shalt  }
0x6a: {  	_ =	shalt  }
0x6b: {  	_ =	shalt  }
0x6c: {  	_ =	shalt  }
0x6d: {  	_ =	shalt  }
0x6e: {  	_ =	shalt  }
0x6f: {  	_ =	shalt  }
0x70: {  	_ =	shalt  }
0x71: {  	_ =	shalt  }
0x72: {  	_ =	shalt  }
0x73: {  	_ =	shalt  }
0x74: {  	_ =	shalt  }
0x75: {  	_ =	shalt  }
0x76: {  	_ =	shalt  }
0x77: {  	_ =	shalt  }
0x78: {  	_ =	shalt  }
0x79: {  	_ =	shalt  }
0x7a: {  	_ =	shalt  }
0x7b: {  	_ =	shalt  }
0x7c: {  	_ =	shalt  }
0x7d: {  	_ =	shalt  }
0x7e: {  	_ =	shalt  }
0x7f: {  	_ =	shalt  }
0x80: {  	_ =	shalt  }
0x81: {  	_ =	shalt  }
0x82: {  	_ =	shalt  }
0x83: {  	_ =	shalt  }
0x84: {  	_ =	shalt  }
0x85: {  	_ =	shalt  }
0x86: {  	_ =	shalt  }
0x87: {  	_ =	shalt  }
.Lfunc_end0:
.L_simem_size_0:
called_computation_lowered:
.L_overlay_start_0:
0x88: {  	s2 =	sld [smem:$0x3FD9]  }
0x89: {  	s3 =	sld [smem:$0x3FFE];
	_ =	sdelay $0x1  }
0x8a: {  	s1 =	srdreg.scid  }
0x8b: {  	s0 =	sand.u32 $0x1, s1  }
0x8c: {  	s17 =	sshll.u32 s0, $0xA;
	s2 =	sadd.s32 s3, s2  }
0x8d: {  	s2 =	sadd.s32 s2, s17  }
0x8e: {  	[smem:$0x3FC6] =	sst s2  }
0x8f: {  	_ = 	snop  }
0x90: {  	s2 =	sld [smem:$0x3FC9]  }
0x91: {  	s18 =	sld [smem:$0x3FC8];
	(tm) =	ssettm $0x1  }
0x92: {  	s4 =	sld [smem:$0x3FFB];
	_ =	sdelay $0x3  }
0x93: {  	_ =	strace s4  }
0x94: {  	s4 =	sld [smem:$0x3FFC];
	_ =	sdelay $0x3  }
0x95: {  	_ =	strace s4  }
0x96: {  	s4 =	sld [smem:$0x3FFD];
	_ =	sdelay $0x3  }
0x97: {  	_ =	strace s4  }
0x98: {  	_ =	strace $0x8FFFFFFF  }
0x99: {  	s19 =	sld [smem:$0x3FDB];
	_ =	sdelay $0x1  }
0x9a: {  	s5 =	simm.s32 $_scs_section_size  }
0x9b: {  	s6 =	simm.s32 $_size__tile_overlayer_lowered;
	s7 =	simm.s32 $_tile_overlayer_lowered  }
0x9c: {  	s22 =	simm.s32 $0x1BFF;
	s21 =	sshll.u32 s7, $0x1;
	s4 =	sadd.s32 s5, s19  }
0x9d: {  	s8 =	simm.s32 $0x0;
	s20 =	sshll.u32 s6, $0x1;
	s6 =	sadd.s32 s21, s4  }
0x9e: {  	[timem:s8], [sflag:s22] =	dma.local [hbm:s6], s20  }
0x9f: {  	_ =	swait.ge [sflag:s22], s20  }
0xa0: {  	s5 =	ssub.s32 $0x0, s20;
	[sflag:s22] =	ssyncset.done $0x0  }
0xa1: {  	[sflag:s22] =	ssyncadd.s32 s5;
	_ =	sdelay $0x1  }
0xa2: {  	s23 =	simm.s32 $0x1B8B  }
0xa3: {  	_ =	swait.ge [sflag:s23], $0x1  }
0xa4: {  	[sflag:s23] =	ssyncset.done $0x0  }
0xa5: {  	s25 =	simm.s32 $0x1B8E;
	s24 =	sld [smem:$0x3FFE];
	[sflag:s23] =	ssyncadd.s32 $0xFFFFFFFF  }
0xa6: {  	s26 =	simm.s32 $execute0_lowered;
	[smem:$0x3FD2] =	sst s25  }
0xa7: {  	s6 =	sshll.u32 s26, $0x1;
	_ =	strace $0x80000046;
	[dreg:$0x1] =	wrdreg $0xFFFFFFFF  }
0xa8: {  	s28 =	simm.s32 $_size_execute0_lowered;
	s4 =	sadd.s32 s4, s6;
	[dreg:$0x0] =	wrdreg $0x0  }
0xa9: {  	s6 =	sshll.u32 s28, $0x1;
	[dreg:$0x2] =	wrdreg s4  }
0xaa: {  	[dreg:$0x3] =	wrdreg s6  }
0xab: {  	[dreg:$0x4] =	wrdreg $0xC0  }
0xac: {  	_ =	task [dreg:s8], $0x5FFFF  }
0xad: {  	[dreg:$0x1] =	wrdreg $0xFFFFFFFF  }
0xae: {  	[dreg:$0x0] =	wrdreg $0x60  }
0xaf: {  	[dreg:$0x2] =	wrdreg s2  }
0xb0: {  	[dreg:$0x3] =	wrdreg s18  }
0xb1: {  	[dreg:$0x4] =	wrdreg s24  }
0xb2: {  	[dreg:$0x5] =	wrdreg $0x9  }
0xb3: {  	_ =	task.clear_ibuf [dreg:s8], $0x6FFFF;
	_ =	strace $0x90000046  }
0xb4: {  	s29 =	simm.s32 $0x9;
	_ =	strace $0x80000048  }
0xb5: {  	_ =	swait.ge [sflag:s29], $0x1  }
0xb6: {  	[sflag:s29] =	ssyncadd.s32 $0xFFFFFFFF  }
0xb7: {  	_ =	strace $0x90000048  }
0xb8: {  	_ =	sfence  }
0xb9: {  	s30 =	sld [smem:$0x0];
	_ =	sdelay $0x2  }
0xba: {  	s31 =	sshll.u32 s1, $0xD;
	s1 =	sshrl.u32 s1, $0x2  }
0xbb: {  	s3 =	sand.u32 $0x4000, s31;
	s1 =	sadd.s32 s1, s30  }
0xbc: {  	s0 =	sor.u32 s3, s0;
	s1 =	sshll.u32 s1, $0x11  }
0xbd: {  	s0 =	sor.u32 s1, s0  }
0xbe: {  	s0 =	sadd.s32 $0x8F2B, s0  }
0xbf: {  	[sflag:s0] =	ssyncadd.remote.s32 $0x1  }
0xc0: {  	_ =	sfence.sel $0xFFFF  }
0xc1: {  	[dreg:$0x0] =	wrdreg $0xFFFFFFFF;
	(pc) =	sbr.abs _section_cstart, $3  }
0xc2: {  	[dreg:$0x1] =	wrdreg $0xFFFFFFFF  }
0xc3: {  	_ =	task.clear_ibuf [dreg:s8], $0x2FFFF;
	_ =	strace $0x9FFFFFFF  }
0xc4: {  	(tm) =	ssettm $0x7FFFFFFF  }
0xc5: {  	_ =	shalt  }
tec
execute0_lowered:
.L_overlay_start_1:
0x0: {  	(tag) =	ssettag $0x1  }
0x1: {  	s1 =	rddreg [dreg:$0x0]  }
0x2: {  	s4 =	rddreg [dreg:$0x1]  }
0x3: {  	s5 =	rddreg [dreg:$0x2];
	s3 =	srdreg.scid  }
0x4: {  	s0 =	rddreg [dreg:$0x3];
	s2 =	stileid.u32;
	s10 =	simm.s32 $0x2  }
0x5: {  	s11 =	simm.s32 $0x80;
	s12 =	simm.s32 $0x880;
	s13 =	simm.s32 $0x1080  }
0x6: {  	s14 =	simm.s32 $0x1880;
	s15 =	simm.s32 $0x2080;
	s16 =	simm.s32 $0x2880  }
0x7: {  	s17 =	simm.s32 $0x3080;
	s18 =	simm.s32 $0x3880;
	s19 =	simm.s32 $0x4080  }
0x8: {  	s20 =	simm.s32 $0x4880;
	s21 =	simm.s32 $0x5080;
	s22 =	simm.s32 $0x5880  }
0x9: {  	s23 =	simm.s32 $0x6080;
	s24 =	simm.s32 $0x6880;
	s25 =	simm.s32 $0x7080  }
0xa: {  	s26 =	simm.s32 $0x7880;
	s28 =	simm.s32 $0x1;
	s6 =	sand.u32 $0x1, s3  }
0xb: {  	s3 =	simm.s32 $0x0;
	s7 =	sshll.u32 s2, $0x6;
	s8 =	sshll.u32 s6, $0x5  }
0xc: {  	[smem:$0x7FF] =	sst s3;
	s6 =	ssub.s32 $0x2, s6;
	s7 =	sor.u32 s8, s7  }
0xd: {  	_ =	strace $0x80000047;
	s9 =	sshrl.u32 s6, $0x1;
	s8 =	sshll.u32 s7, $0x7  }
0xe: {  	v2 =	vlaneseq.u32;
	s9 =	ssub.s32 s6, s9;
	s31 =	sshrl.u32 s7, $0x3;
	s6 =	sadd.s32 $0x200, s1  }
0xf: {  	vm0 =	vmmov $0xffff;
	v1 =	vshrl.u32 v2, $0x3;
	s7 =	sadd.s32 $0x300, s1;
	s8 =	sadd.s32 s8, s5;
	s4 =	sadd.s32 s4, s31  }
0x10: {  	v0 =	vand.u32 $0x7, v2;
	v2 =	vor.u32 $0x8, v2;
	v1 =	vmul.u32 $0x8, v1;
	s5 =	sadd.s32 $0x100, s1;
	s9 =	smax.u32 s9, $0x1;
	s8 =	sadd.s32 $0x400, s8  }
.LBB2_1:
0x11: {  	[tilespmem:s3], [sflag:$0x2] =	stream.linear.gather [hbm4b:s4+s3], $0x20, $0x38;
	[tilespmem:$0x8080] =	vst v63  }
0x12: {  	_ =	swait.ge [sflag:s10], $0x20  }
0x13: {  	[sflag:s10] =	ssyncset.done $0x0  }
0x14: {  	[sflag:s10] =	ssyncadd.s32 $0xFFFFFFE0  }
0x15: {  	v3 =	vld [tilespmem:$0x0];
	_ =	sdelay $0x4  }
0x16: {  	v4 =	vshll.u32 v3, $0x3  }
0x17: {  	v3 =	vand.u32 $0x7, v3;
	v4 =	vand.u32 $0xFFFFFFC0, v4  }
0x18: {  	v3 =	vor.u32 v3, v4  }
0x19: {  	v4 =	vperm.xlane v3, v0;
	_ =	sdelay $0x1  }
0x1a: {  	v4 =	vadd.s32 v1, v4;
	_ =	sdelay $0x4  }
0x1b: {  	[tilespmem:s11], [sflag:$0x1] =	stream.indirect_vreg.gather [hbm4b:s1+s3], $0x80, v4, vm0, $0xb8;
	[tilespmem:$0x8080] =	vst v63  }
0x1c: {  	v3 =	vperm.xlane v3, v2  }
0x1d: {  	[tilespmem:s12], [sflag:$0x1] =	stream.indirect_vreg.gather [hbm4b:s5+s3], $0x80, v4, vm0, $0xb8;
	[tilespmem:$0x8080] =	vst v63  }
0x1e: {  	v3 =	vadd.s32 v1, v3  }
0x1f: {  	[tilespmem:s13], [sflag:$0x1] =	stream.indirect_vreg.gather [hbm4b:s6+s3], $0x80, v4, vm0, $0xb8;
	[tilespmem:$0x8080] =	vst v63  }
0x20: {  	_ = 	snop  }
0x21: {  	[tilespmem:s14], [sflag:$0x1] =	stream.indirect_vreg.gather [hbm4b:s7+s3], $0x80, v4, vm0, $0xb8;
	[tilespmem:$0x8080] =	vst v63  }
0x22: {  	_ = 	snop  }
0x23: {  	[tilespmem:s15], [sflag:$0x1] =	stream.indirect_vreg.gather [hbm4b:s1+s3], $0x80, v3, vm0, $0xb8;
	[tilespmem:$0x8080] =	vst v63  }
0x24: {  	_ = 	snop  }
0x25: {  	[tilespmem:s16], [sflag:$0x1] =	stream.indirect_vreg.gather [hbm4b:s5+s3], $0x80, v3, vm0, $0xb8;
	[tilespmem:$0x8080] =	vst v63  }
0x26: {  	_ = 	snop  }
0x27: {  	[tilespmem:s17], [sflag:$0x1] =	stream.indirect_vreg.gather [hbm4b:s6+s3], $0x80, v3, vm0, $0xb8;
	[tilespmem:$0x8080] =	vst v63  }
0x28: {  	_ = 	snop  }
0x29: {  	[tilespmem:s18], [sflag:$0x1] =	stream.indirect_vreg.gather [hbm4b:s7+s3], $0x80, v3, vm0, $0xb8;
	[tilespmem:$0x8080] =	vst v63  }
0x2a: {  	v3 =	vld [tilespmem:$0x10];
	_ =	sdelay $0x4  }
0x2b: {  	v63 =	vshll.u32 v3, $0x3  }
0x2c: {  	v3 =	vand.u32 $0x7, v3;
	v4 =	vand.u32 $0xFFFFFFC0, v63  }
0x2d: {  	v3 =	vor.u32 v3, v4  }
0x2e: {  	v4 =	vperm.xlane v3, v0;
	_ =	sdelay $0x1  }
0x2f: {  	v4 =	vadd.s32 v1, v4;
	_ =	sdelay $0x4  }
0x30: {  	[tilespmem:s19], [sflag:$0x1] =	stream.indirect_vreg.gather [hbm4b:s1+s3], $0x80, v4, vm0, $0xb8;
	[tilespmem:$0x8080] =	vst v63  }
0x31: {  	v3 =	vperm.xlane v3, v2  }
0x32: {  	[tilespmem:s20], [sflag:$0x1] =	stream.indirect_vreg.gather [hbm4b:s5+s3], $0x80, v4, vm0, $0xb8;
	[tilespmem:$0x8080] =	vst v63  }
0x33: {  	v3 =	vadd.s32 v1, v3  }
0x34: {  	[tilespmem:s21], [sflag:$0x1] =	stream.indirect_vreg.gather [hbm4b:s6+s3], $0x80, v4, vm0, $0xb8;
	[tilespmem:$0x8080] =	vst v63  }
0x35: {  	_ = 	snop  }
0x36: {  	[tilespmem:s22], [sflag:$0x1] =	stream.indirect_vreg.gather [hbm4b:s7+s3], $0x80, v4, vm0, $0xb8;
	[tilespmem:$0x8080] =	vst v63  }
0x37: {  	_ = 	snop  }
0x38: {  	[tilespmem:s23], [sflag:$0x1] =	stream.indirect_vreg.gather [hbm4b:s1+s3], $0x80, v3, vm0, $0xb8;
	[tilespmem:$0x8080] =	vst v63  }
0x39: {  	_ = 	snop  }
0x3a: {  	[tilespmem:s24], [sflag:$0x1] =	stream.indirect_vreg.gather [hbm4b:s5+s3], $0x80, v3, vm0, $0xb8;
	[tilespmem:$0x8080] =	vst v63  }
0x3b: {  	_ = 	snop  }
0x3c: {  	[tilespmem:s25], [sflag:$0x1] =	stream.indirect_vreg.gather [hbm4b:s6+s3], $0x80, v3, vm0, $0xb8;
	[tilespmem:$0x8080] =	vst v63  }
0x3d: {  	_ = 	snop  }
0x3e: {  	[tilespmem:s26], [sflag:$0x1] =	stream.indirect_vreg.gather [hbm4b:s7+s3], $0x80, v3, vm0, $0xb8;
	[tilespmem:$0x8080] =	vst v63  }
0x3f: {  	_ =	swait.ge [sflag:s28], $0x8000  }
0x40: {  	p0 =	sne.s32 s9, $0x1;
	[sflag:s28] =	ssyncset.done $0x0  }
.Ltmp0:
0x41: {  	[sflag:s28] =	ssyncadd.s32 $0xFFFF8000;
	(pc) =	sbr.rel @p0 .LBB2_1-.Ltmp0, $4  }
0x42: {  	[hbm4b:s8+s3] =	stream.linear.scatter [tilespmem:s11], [sflag:$0x2], $0x8000, $0x38;
	[tilespmem:$0x8080] =	vst v63  }
0x43: {  	_ =	swait.ge [sflag:s10], $0x8000  }
0x44: {  	[sflag:s10] =	ssyncset.done $0x0  }
0x45: {  	s9 =	sadd.s32 $0xFFFFFFFF, s9;
	[sflag:s10] =	ssyncadd.s32 $0xFFFF8000  }
0x46: {  	_ =	sfence.sel $0x180000  }
0x47: {  	[bflag:$0x0] =	sbarrier.arrive $0xFFFF  }
0x48: {  	p0 =	sne.s32 s2, $0x0;
	_ =	strace $0x90000047  }
0x49: {  	s0 =	sadd.s32 @!p0 $0x100000, s0;
	[bflag:$0x2] =	sbarrier.arrive $0xFFFF  }
0x4a: {  	[sflag:s0] =	ssyncadd.tile.s32 @!p0 $0x1;
	_ =	shalt  }
.Lfunc_end2:
_tile_overlayer_lowered:
.L_overlay_start_2:
0x4b: {  	(tag) =	ssettag $0x2  }
0x4c: {  	s0 =	rddreg [dreg:$0x0];
	s2 =	stileid.u32  }
0x4d: {  	s1 =	rddreg [dreg:$0x1];
	p0 =	sne.s32 s2, $0x0  }
0x4e: {  	s3 =	rddreg [dreg:$0x2];
	[bflag:$0x3] =	sbarrier.arrive $0xFFFF;
	s2 =	simm.s32 @!p0 $0x1C02  }
0x4f: {  	[timem:s3], [sflag:s2] =	dma.local @!p0 [hbm:s0], s1  }
0x50: {  	s0 =	simm.s32 @!p0 $0x2  }
0x51: {  	_ =	swait.ge @!p0 [sflag:s0], s1  }
0x52: {  	s1 =	ssub.s32 @!p0 $0x0, s1;
	[sflag:s0] =	ssyncset.done @!p0 $0x0  }
0x53: {  	[sflag:s0] =	ssyncadd.s32 @!p0 s1  }
0x54: {  	[bflag:$0x3] =	sbarrier.arrive $0xFFFF  }
0x55: {  	_ =	shalt  }

</sc_bundles>
